<compile_context>
chip_gen: v7x
topology: tpu7x:2x2x1
jax: 0.10.2.dev20260603
libtpu: 0.0.44.dev20260713+nightly
codegen_flags: <defaults>
</compile_context>

<pallas_src>
import functools

import jax
import jax.numpy as jnp
from jax import lax
from jax.experimental import pallas as pl
from jax.experimental.pallas import tpu as pltpu
from jax.experimental.pallas import tpu_sc as plsc


@functools.cache
def _make_sc_probe():
    mesh = plsc.VectorSubcoreMesh(
        core_axis_name="c", subcore_axis_name="s", num_cores=2, num_subcores=16)

    @functools.partial(
        pl.kernel, mesh=mesh,
        out_type=jax.ShapeDtypeStruct((4096, 100), jnp.float32),
        scratch_types=[pltpu.VMEM((128, 100), jnp.float32)])
    def sc_copy(src_hbm, out_hbm, buf):
        wid = lax.axis_index("s") * 2 + lax.axis_index("c")
        pltpu.sync_copy(src_hbm.at[pl.ds(wid * 128, 128)], buf)
        pltpu.sync_copy(buf, out_hbm.at[pl.ds(wid * 128, 128)])

    return sc_copy

_B = 16384
_D = 100
_LAMBDA = 3.0
_BETA = 0.7

_BLK = 4096
_NBLK = _B // _BLK


def _loss_body(out_ref, lab_ref, acc_ref):
    i = pl.program_id(0)
    x = out_ref[...]
    lab = lab_ref[...].reshape(_BLK, 1)
    e = jnp.exp(x)
    ones_col = jnp.ones((_D, 1), jnp.float32)
    dot = lambda a: jax.lax.dot_general(
        a, ones_col, (((1,), (0,)), ((), ())), preferred_element_type=jnp.float32)
    se = dot(e)
    p = jnp.clip(e / se, 1e-4, 1.0 - 1e-4)
    sp = dot(p)
    s2 = dot(p * p)
    hit = lax.broadcasted_iota(jnp.int32, x.shape, 1) == lab
    xl = dot(jnp.where(hit, x, 0.0))
    def logsum4(t):
        h = t[: _BLK // 2] * t[_BLK // 2 :]
        return jnp.log(h[: _BLK // 4] * h[_BLK // 4 :])

    lcol = (logsum4(se)
            + _LAMBDA * (logsum4(sp - (1.0 - _BETA) * s2) - logsum4(sp)))
    rowsum = lambda c, n: jax.lax.dot_general(
        c, jnp.ones((n, 1), jnp.float32), (((0,), (0,)), ((), ())),
        preferred_element_type=jnp.float32)[0, 0]
    part = (rowsum(lcol, _BLK // 4) - rowsum(xl, _BLK)) * (1.0 / _B)

    @pl.when(i == 0)
    def _():
        acc_ref[0, 0] = 0.0

    acc_ref[0, 0] += part


def kernel(index, output, label, target):
    del index, target
    res = pl.pallas_call(
        _loss_body,
        grid=(_NBLK,),
        in_specs=[
            pl.BlockSpec((_BLK, _D), lambda i: (i, 0)),
            pl.BlockSpec((_BLK,), lambda i: (i,)),
        ],
        out_specs=pl.BlockSpec((1, 1), lambda i: (0, 0), memory_space=pltpu.SMEM),
        out_shape=jax.ShapeDtypeStruct((1, 1), jnp.float32),
    )(output, label)
    sc_out = _make_sc_probe()(output)
    return res[0, 0] + sc_out[0, 0] * 0.0

# --- scband reference (transcript-rebuilt; emitter-appended) ---
"""Pipeline reference for scband-elr-loss-52931176956272 (READ-ONLY COPY).

The authoritative reference and input builder live on the scoring server;
editing this copy changes nothing except your own understanding.
"""

import jax, jax.numpy as jnp
import numpy as np

NUM_EXAMP = 1000000
NUM_CLASSES = 100
LAMBDA_NUM = 3.0
BETA = 0.7
BATCH = 16384


def setup_inputs(seed: int = 0) -> dict:
    key = jax.random.key(seed)
    k1, k2, k3 = jax.random.split(key, 3)
    index = jax.random.randint(k1, (BATCH,), 0, NUM_EXAMP, dtype=jnp.int32)
    output = jax.random.normal(k2, (BATCH, NUM_CLASSES), dtype=jnp.float32) * 2.0
    label = jax.random.randint(k3, (BATCH,), 0, NUM_CLASSES, dtype=jnp.int32)
    # persistent buffer from __init__: self.target = zeros(num_examp, num_classes)
    target = jnp.zeros((NUM_EXAMP, NUM_CLASSES), dtype=jnp.float32)
    return {"index": index, "output": output, "label": label, "target": target}


def reference(index, output, label, target):
    # y_pred = softmax(output), clamped
    y_pred = jax.nn.softmax(output, axis=1)
    y_pred = jnp.clip(y_pred, 0.0001, 1.0 - 0.0001)
    # detached copy used for target EMA update
    y_pred_ = jax.lax.stop_gradient(y_pred)
    gathered = target[index]  # gather rows of the memory
    upd = BETA * gathered + (1.0 - BETA) * (y_pred_ / jnp.sum(y_pred_, axis=1, keepdims=True))
    # scatter-overwrite into the persistent memory (self.target[index] = ...)
    new_target = target.at[index].set(upd)
    # re-read updated rows (buffer carries no grad)
    rows = jax.lax.stop_gradient(new_target[index])
    elr_reg = jnp.mean(jnp.log(1.0 - jnp.sum(rows * y_pred, axis=1)))
    # cross entropy (mean reduction)
    logp = jax.nn.log_softmax(output, axis=1)
    ce_loss = -jnp.mean(jnp.take_along_axis(logp, label[:, None], axis=1))
    final_loss = ce_loss + LAMBDA_NUM * elr_reg
    return final_loss

if __name__ == "__main__":
    import jax
    _d = setup_inputs()
    print(jax.jit(kernel)(*tuple(_d.values())))

</pallas_src>

<mosaic_0001>
#map = affine_map<(d0, d1) -> (0, 0)>
module attributes {stable_mosaic.version = 14 : i64} {
  func.func @sc_copy(%arg0: i32, %arg1: i32, %arg2: memref<16384x100xf32, #tpu.memory_space<hbm>>, %arg3: memref<4096x100xf32, #tpu.memory_space<hbm>>, %arg4: memref<128x100xf32, #tpu.memory_space<vmem>>) attributes {dimension_semantics = [#tpu.dimension_semantics<core_parallel>, #tpu.dimension_semantics<subcore_parallel>], iteration_bounds = array<i64: 2, 16>, scalar_prefetch = 0 : i64, scratch_operands = 1 : i64, tpu.core_type = #tpu.core_type<sc_vector_subcore>, window_params = [{transform_indices = #map}, {transform_indices = #map}]} {
    %mul3A = arith.constant 2 : i32
    %mul3A_0 = arith.muli %arg1, %mul3A : i32
    %add3A = arith.addi %mul3A_0, %arg0 : i32
    %mul3A_1 = arith.constant 128 : i32
    %mul3A_2 = arith.muli %add3A, %mul3A_1 : i32
    "tpu.region"() ({
      %run_scoped3A = tpu.sem_alloc : memref<!tpu.dma_semaphore, #tpu.memory_space<semaphore_mem>>
      %dma_start3A = arith.constant 0 : i32
      %dma_start3A_5 = tpu.memref_slice %arg2[%mul3A_2, %dma_start3A] : memref<16384x100xf32, #tpu.memory_space<hbm>> -> memref<128x100xf32, #tpu.memory_space<hbm>>
      %dma_start3A_6 = arith.constant 0 : i32
      %dma_start3A_7 = tpu.memref_slice %arg2[%mul3A_2, %dma_start3A_6] : memref<16384x100xf32, #tpu.memory_space<hbm>> -> memref<128x100xf32, #tpu.memory_space<hbm>>
      tpu.enqueue_dma source(%dma_start3A_7 : memref<128x100xf32, #tpu.memory_space<hbm>>) target(%arg4 : memref<128x100xf32, #tpu.memory_space<vmem>>) target_semaphore(%run_scoped3A : memref<!tpu.dma_semaphore, #tpu.memory_space<semaphore_mem>>)
      %dma_wait3A = arith.constant 0 : i32
      %dma_wait3A_8 = tpu.memref_slice %arg2[%mul3A_2, %dma_wait3A] : memref<16384x100xf32, #tpu.memory_space<hbm>> -> memref<128x100xf32, #tpu.memory_space<hbm>>
      %dma_wait3A_9 = arith.constant 0 : i32
      %dma_wait3A_10 = tpu.memref_slice %arg2[%mul3A_2, %dma_wait3A_9] : memref<16384x100xf32, #tpu.memory_space<hbm>> -> memref<128x100xf32, #tpu.memory_space<hbm>>
      tpu.wait_dma2 semaphore(%run_scoped3A : memref<!tpu.dma_semaphore, #tpu.memory_space<semaphore_mem>>) src(%dma_wait3A_10 : memref<128x100xf32, #tpu.memory_space<hbm>>) dst(%arg4 : memref<128x100xf32, #tpu.memory_space<vmem>>)
      tpu.yield
    }) : () -> ()
    %mul3A_3 = arith.constant 128 : i32
    %mul3A_4 = arith.muli %add3A, %mul3A_3 : i32
    "tpu.region"() ({
      %run_scoped3A = tpu.sem_alloc : memref<!tpu.dma_semaphore, #tpu.memory_space<semaphore_mem>>
      %dma_start3A = arith.constant 0 : i32
      %dma_start3A_5 = tpu.memref_slice %arg3[%mul3A_4, %dma_start3A] : memref<4096x100xf32, #tpu.memory_space<hbm>> -> memref<128x100xf32, #tpu.memory_space<hbm>>
      %dma_start3A_6 = arith.constant 0 : i32
      %dma_start3A_7 = tpu.memref_slice %arg3[%mul3A_4, %dma_start3A_6] : memref<4096x100xf32, #tpu.memory_space<hbm>> -> memref<128x100xf32, #tpu.memory_space<hbm>>
      tpu.enqueue_dma source(%arg4 : memref<128x100xf32, #tpu.memory_space<vmem>>) target(%dma_start3A_7 : memref<128x100xf32, #tpu.memory_space<hbm>>) target_semaphore(%run_scoped3A : memref<!tpu.dma_semaphore, #tpu.memory_space<semaphore_mem>>)
      %dma_wait3A = arith.constant 0 : i32
      %dma_wait3A_8 = tpu.memref_slice %arg3[%mul3A_4, %dma_wait3A] : memref<4096x100xf32, #tpu.memory_space<hbm>> -> memref<128x100xf32, #tpu.memory_space<hbm>>
      %dma_wait3A_9 = arith.constant 0 : i32
      %dma_wait3A_10 = tpu.memref_slice %arg3[%mul3A_4, %dma_wait3A_9] : memref<4096x100xf32, #tpu.memory_space<hbm>> -> memref<128x100xf32, #tpu.memory_space<hbm>>
      tpu.wait_dma2 semaphore(%run_scoped3A : memref<!tpu.dma_semaphore, #tpu.memory_space<semaphore_mem>>) src(%arg4 : memref<128x100xf32, #tpu.memory_space<vmem>>) dst(%dma_wait3A_10 : memref<128x100xf32, #tpu.memory_space<hbm>>)
      tpu.yield
    }) : () -> ()
    return
  }
}

module attributes {stable_mosaic.version = 14 : i64} {
  func.func @_loss_body(%arg0: i32, %arg1: memref<4096x100xf32, #tpu.memory_space<vmem>>, %arg2: memref<4096xi32, #tpu.memory_space<vmem>>, %arg3: memref<1x1xf32, #tpu.memory_space<smem>>) attributes {dimension_semantics = [#tpu.dimension_semantics<arbitrary>], iteration_bounds = array<i64: 4>, scalar_prefetch = 0 : i64, scratch_operands = 0 : i64, tpu.core_type = #tpu.core_type<tc>, window_params = [{transform_indices = @transform_0, window_bounds = array<i64: 4096, 100>}, {transform_indices = @transform_1, window_bounds = array<i64: 4096>}, {transform_indices = @transform_2, window_bounds = array<i64: 1, 1>}]} {
    %get3A = arith.constant 0 : index
    %get3A_0 = arith.constant 0 : index
    %get3A_1 = vector.load %arg1[%get3A, %get3A_0] : memref<4096x100xf32, #tpu.memory_space<vmem>>, vector<4096x100xf32>
    %get3A_2 = arith.constant 0 : index
    %get3A_3 = vector.load %arg2[%get3A_2] : memref<4096xi32, #tpu.memory_space<vmem>>, vector<4096xi32>
    %reshape3A = vector.shape_cast %get3A_3 : vector<4096xi32> to vector<4096x1xi32>
    %exp3A = math.exp %get3A_1 : vector<4096x100xf32>
    %broadcast_in_dim3A = arith.constant 1.000000e+00 : f32
    %broadcast_in_dim3A_4 = vector.broadcast %broadcast_in_dim3A : f32 to vector<100x1xf32>
    %dot_general3A = arith.constant dense<0.000000e+00> : vector<4096x1xf32>
    %dot_general3A_5 = tpu.matmul %exp3A, %broadcast_in_dim3A_4, %dot_general3A {dimension_numbers = #tpu.dot_dimension_numbers<[1], [0], [0], [1], [0, 0, 1, 1], [], []>, transpose_lhs_hint = false} : vector<4096x100xf32>, vector<100x1xf32>, vector<4096x1xf32> -> vector<4096x1xf32>
    %div3A = vector.broadcast %dot_general3A_5 : vector<4096x1xf32> to vector<4096x100xf32>
    %div3A_6 = arith.divf %exp3A, %div3A : vector<4096x100xf32>
    %jit3A = arith.constant 9.99999974E-5 : f32
    %jit3A_7 = arith.constant 0.999899983 : f32
    %max3A = vector.broadcast %jit3A : f32 to vector<4096x100xf32>
    %max3A_8 = arith.maximumf %max3A, %div3A_6 : vector<4096x100xf32>
    %min3A = vector.broadcast %jit3A_7 : f32 to vector<4096x100xf32>
    %min3A_9 = arith.minimumf %min3A, %max3A_8 : vector<4096x100xf32>
    %dot_general3A_10 = arith.constant dense<0.000000e+00> : vector<4096x1xf32>
    %dot_general3A_11 = tpu.matmul %min3A_9, %broadcast_in_dim3A_4, %dot_general3A_10 {dimension_numbers = #tpu.dot_dimension_numbers<[1], [0], [0], [1], [0, 0, 1, 1], [], []>, transpose_lhs_hint = false} : vector<4096x100xf32>, vector<100x1xf32>, vector<4096x1xf32> -> vector<4096x1xf32>
    %mul3A = arith.mulf %min3A_9, %min3A_9 : vector<4096x100xf32>
    %dot_general3A_12 = arith.constant dense<0.000000e+00> : vector<4096x1xf32>
    %dot_general3A_13 = tpu.matmul %mul3A, %broadcast_in_dim3A_4, %dot_general3A_12 {dimension_numbers = #tpu.dot_dimension_numbers<[1], [0], [0], [1], [0, 0, 1, 1], [], []>, transpose_lhs_hint = false} : vector<4096x100xf32>, vector<100x1xf32>, vector<4096x1xf32> -> vector<4096x1xf32>
    %iota3A = tpu.iota {dimensions = array<i32: 1>} : vector<4096x100xi32>
    %eq3A = vector.broadcast %reshape3A : vector<4096x1xi32> to vector<4096x100xi32>
    %eq3A_14 = arith.cmpi eq, %iota3A, %eq3A : vector<4096x100xi32>
    %jit3A_15 = arith.constant 0.000000e+00 : f32
    %broadcast_in_dim3A_16 = vector.broadcast %jit3A_15 : f32 to vector<4096x100xf32>
    %select_n3A = arith.select %eq3A_14, %get3A_1, %broadcast_in_dim3A_16 : vector<4096x100xi1>, vector<4096x100xf32>
    %dot_general3A_17 = arith.constant dense<0.000000e+00> : vector<4096x1xf32>
    %dot_general3A_18 = tpu.matmul %select_n3A, %broadcast_in_dim3A_4, %dot_general3A_17 {dimension_numbers = #tpu.dot_dimension_numbers<[1], [0], [0], [1], [0, 0, 1, 1], [], []>, transpose_lhs_hint = false} : vector<4096x100xf32>, vector<100x1xf32>, vector<4096x1xf32> -> vector<4096x1xf32>
    %slice3A = vector.extract_strided_slice %dot_general3A_5 {offsets = [0, 0], sizes = [2048, 1], strides = [1, 1]} : vector<4096x1xf32> to vector<2048x1xf32>
    %slice3A_19 = vector.extract_strided_slice %dot_general3A_5 {offsets = [2048, 0], sizes = [2048, 1], strides = [1, 1]} : vector<4096x1xf32> to vector<2048x1xf32>
    %mul3A_20 = arith.mulf %slice3A, %slice3A_19 : vector<2048x1xf32>
    %slice3A_21 = vector.extract_strided_slice %mul3A_20 {offsets = [0, 0], sizes = [1024, 1], strides = [1, 1]} : vector<2048x1xf32> to vector<1024x1xf32>
    %slice3A_22 = vector.extract_strided_slice %mul3A_20 {offsets = [1024, 0], sizes = [1024, 1], strides = [1, 1]} : vector<2048x1xf32> to vector<1024x1xf32>
    %mul3A_23 = arith.mulf %slice3A_21, %slice3A_22 : vector<1024x1xf32>
    %log3A = math.log %mul3A_23 : vector<1024x1xf32>
    %mul3A_24 = arith.constant 3.000000e-01 : f32
    %mul3A_25 = vector.broadcast %mul3A_24 : f32 to vector<4096x1xf32>
    %mul3A_26 = arith.mulf %mul3A_25, %dot_general3A_13 : vector<4096x1xf32>
    %sub3A = arith.subf %dot_general3A_11, %mul3A_26 : vector<4096x1xf32>
    %slice3A_27 = vector.extract_strided_slice %sub3A {offsets = [0, 0], sizes = [2048, 1], strides = [1, 1]} : vector<4096x1xf32> to vector<2048x1xf32>
    %slice3A_28 = vector.extract_strided_slice %sub3A {offsets = [2048, 0], sizes = [2048, 1], strides = [1, 1]} : vector<4096x1xf32> to vector<2048x1xf32>
    %mul3A_29 = arith.mulf %slice3A_27, %slice3A_28 : vector<2048x1xf32>
    %slice3A_30 = vector.extract_strided_slice %mul3A_29 {offsets = [0, 0], sizes = [1024, 1], strides = [1, 1]} : vector<2048x1xf32> to vector<1024x1xf32>
    %slice3A_31 = vector.extract_strided_slice %mul3A_29 {offsets = [1024, 0], sizes = [1024, 1], strides = [1, 1]} : vector<2048x1xf32> to vector<1024x1xf32>
    %mul3A_32 = arith.mulf %slice3A_30, %slice3A_31 : vector<1024x1xf32>
    %log3A_33 = math.log %mul3A_32 : vector<1024x1xf32>
    %slice3A_34 = vector.extract_strided_slice %dot_general3A_11 {offsets = [0, 0], sizes = [2048, 1], strides = [1, 1]} : vector<4096x1xf32> to vector<2048x1xf32>
    %slice3A_35 = vector.extract_strided_slice %dot_general3A_11 {offsets = [2048, 0], sizes = [2048, 1], strides = [1, 1]} : vector<4096x1xf32> to vector<2048x1xf32>
    %mul3A_36 = arith.mulf %slice3A_34, %slice3A_35 : vector<2048x1xf32>
    %slice3A_37 = vector.extract_strided_slice %mul3A_36 {offsets = [0, 0], sizes = [1024, 1], strides = [1, 1]} : vector<2048x1xf32> to vector<1024x1xf32>
    %slice3A_38 = vector.extract_strided_slice %mul3A_36 {offsets = [1024, 0], sizes = [1024, 1], strides = [1, 1]} : vector<2048x1xf32> to vector<1024x1xf32>
    %mul3A_39 = arith.mulf %slice3A_37, %slice3A_38 : vector<1024x1xf32>
    %log3A_40 = math.log %mul3A_39 : vector<1024x1xf32>
    %sub3A_41 = arith.subf %log3A_33, %log3A_40 : vector<1024x1xf32>
    %mul3A_42 = arith.constant 3.000000e+00 : f32
    %mul3A_43 = vector.broadcast %mul3A_42 : f32 to vector<1024x1xf32>
    %mul3A_44 = arith.mulf %mul3A_43, %sub3A_41 : vector<1024x1xf32>
    %add3A = arith.addf %log3A, %mul3A_44 : vector<1024x1xf32>
    %broadcast_in_dim3A_45 = arith.constant 1.000000e+00 : f32
    %broadcast_in_dim3A_46 = vector.broadcast %broadcast_in_dim3A_45 : f32 to vector<1024x1xf32>
    %dot_general3A_47 = arith.constant dense<0.000000e+00> : vector<1x1xf32>
    %dot_general3A_48 = tpu.matmul %add3A, %broadcast_in_dim3A_46, %dot_general3A_47 {dimension_numbers = #tpu.dot_dimension_numbers<[0], [0], [1], [1], [0, 1, 1, 1], [], []>, transpose_lhs_hint = false} : vector<1024x1xf32>, vector<1024x1xf32>, vector<1x1xf32> -> vector<1x1xf32>
    %squeeze3A = vector.extract %dot_general3A_48[0, 0] : f32 from vector<1x1xf32>
    %broadcast_in_dim3A_49 = arith.constant 1.000000e+00 : f32
    %broadcast_in_dim3A_50 = vector.broadcast %broadcast_in_dim3A_49 : f32 to vector<4096x1xf32>
    %dot_general3A_51 = arith.constant dense<0.000000e+00> : vector<1x1xf32>
    %dot_general3A_52 = tpu.matmul %dot_general3A_18, %broadcast_in_dim3A_50, %dot_general3A_51 {dimension_numbers = #tpu.dot_dimension_numbers<[0], [0], [1], [1], [0, 1, 1, 1], [], []>, transpose_lhs_hint = false} : vector<4096x1xf32>, vector<4096x1xf32>, vector<1x1xf32> -> vector<1x1xf32>
    %squeeze3A_53 = vector.extract %dot_general3A_52[0, 0] : f32 from vector<1x1xf32>
    %sub3A_54 = arith.subf %squeeze3A, %squeeze3A_53 : f32
    %mul3A_55 = arith.constant 6.10351563E-5 : f32
    %mul3A_56 = arith.mulf %sub3A_54, %mul3A_55 : f32
    %eq3A_57 = arith.constant 0 : i32
    %eq3A_58 = arith.cmpi eq, %arg0, %eq3A_57 : i32
    %convert_element_type3A = arith.extui %eq3A_58 : i1 to i32
    %cond3A = arith.constant 0 : i32
    %cond3A_59 = arith.cmpi ne, %convert_element_type3A, %cond3A : i32
    scf.if %cond3A_59 {
      %swap3A_66 = arith.constant 0.000000e+00 : f32
      %swap3A_67 = arith.constant 0 : index
      %swap3A_68 = arith.constant 0 : index
      %swap3A_69 = memref.load %arg3[%swap3A_67, %swap3A_68] : memref<1x1xf32, #tpu.memory_space<smem>>
      memref.store %swap3A_66, %arg3[%swap3A_67, %swap3A_68] : memref<1x1xf32, #tpu.memory_space<smem>>
    } else {
    }
    %get3A_60 = arith.constant 0 : index
    %get3A_61 = arith.constant 0 : index
    %get3A_62 = memref.load %arg3[%get3A_60, %get3A_61] : memref<1x1xf32, #tpu.memory_space<smem>>
    %add3A_63 = arith.addf %get3A_62, %mul3A_56 : f32
    %swap3A = arith.constant 0 : index
    %swap3A_64 = arith.constant 0 : index
    %swap3A_65 = memref.load %arg3[%swap3A, %swap3A_64] : memref<1x1xf32, #tpu.memory_space<smem>>
    memref.store %add3A_63, %arg3[%swap3A, %swap3A_64] : memref<1x1xf32, #tpu.memory_space<smem>>
    return
  }
  func.func @transform_0(%arg0: i32) -> (i32, i32) {
    %c0_i32 = arith.constant 0 : i32
    %c0_i32_0 = arith.constant 0 : i32
    return %arg0, %c0_i32 : i32, i32
  }
  func.func @transform_1(%arg0: i32) -> i32 {
    %c0_i32 = arith.constant 0 : i32
    return %arg0 : i32
  }
  func.func @transform_2(%arg0: i32) -> (i32, i32) {
    %c0_i32 = arith.constant 0 : i32
    %c0_i32_0 = arith.constant 0 : i32
    %c0_i32_1 = arith.constant 0 : i32
    return %c0_i32, %c0_i32_0 : i32, i32
  }
}

</mosaic_0001>

<sc_bundles>
// kernel: kernel.4.cloned.1.call-start
scs
__scs_entry_jumppad:
0x0: {  	(pc) =	sbr.rel $0x88, $3  }
0x1: {  	(tag) =	ssettag $0x0;
	lr =	simm.s32 $0x1  }
0x2: {  	[smem:$0x3F9F] =	sst lr;
	_ =	strace $0xD0000000  }
0x3: {  	_ = 	snop  }
0x4: {  	_ = 	snop  }
0x5: {  	_ = 	snop  }
0x6: {  	_ = 	snop  }
0x7: {  	_ = 	snop  }
__scs_overlays_trampoline_lowered:
0x8: {  	[smem:$0x3FAE] =	sst s0  }
0x9: {  	[smem:$0x3FAF] =	sst s1  }
0xa: {  	[smem:$0x3FB0] =	sst s2  }
0xb: {  	[smem:$0x3FB1] =	sst s3  }
0xc: {  	[smem:$0x3FB2] =	sst s4  }
0xd: {  	[smem:$0x3FB3] =	sst s5  }
0xe: {  	[smem:$0x3FB4] =	sst s6  }
0xf: {  	[smem:$0x3FB5] =	sst s7  }
0x10: {  	[smem:$0x3FB6] =	sst s8  }
0x11: {  	[smem:$0x3FB7] =	sst s9;
	s0 =	simm.s32 @!p0 $0x0  }
0x12: {  	s1 =	sld [smem:$0x3F9D];
	s0 =	simm.s32 @p0 $0x1  }
0x13: {  	[smem:$0x3FB8] =	sst s0;
	s0 =	simm.s32 @!p1 $0x0  }
0x14: {  	s2 =	sld [smem:$0x3F9C];
	s0 =	simm.s32 @p1 $0x1  }
0x15: {  	[smem:$0x3FB9] =	sst s0;
	s0 =	simm.s32 @!p2 $0x0  }
0x16: {  	s3 =	sld [smem:$0x3FDB];
	s0 =	simm.s32 @p2 $0x1  }
0x17: {  	s4 =	simm.s32 $0x1BF5;
	[smem:$0x3FBB] =	sst s0  }
0x18: {  	s0 =	sld [smem:$0x3F9E];
	_ =	swait.ge [sflag:s4], $0x0  }
0x19: {  	s7 =	sld [smem:$0x3F9F]  }
0x1a: {  	s8 =	sadd.s32 $0xFFFFE003, lr  }
0x1b: {  	s9 =	sadd.s32 $0xFFFFFEF7, lr;
	s5 =	simm.s32 $0xFFFFFFFF;
	p2 =	slt.u32 s8, $0xFFFFF086  }
0x1c: {  	p1 =	slt.u32 s9, $0xF7A;
	s5 =	simm.s32 @!p2 $0x0  }
0x1d: {  	s5 =	simm.s32 @p1 $0x1;
	p0 =	seq.s32 s7, s2  }
0x1e: {  	s7 =	smul.u32 @!p0 $0xF7A, s2;
	p2 =	seq.s32 @!p0 s5, $0x0  }
0x1f: {  	s9 =	smul.u32 $0xF7A, s1;
	s8 =	simm.s32 @!p0 $0x1BF5;
	p2 =	por !p2, p0  }
0x20: {  	[sflag:s8] =	ssyncset.s32 @!p0 $0xFFFFF086;
	s6 =	sadd.s32 @!p0 s3, s7;
	s7 =	simm.s32 @!p0 $0x108  }
0x21: {  	s3 =	sadd.s32 s3, s9;
	s6 =	sadd.s32 @!p0 $0x88, s6;
	s7 =	simm.s32 @p2 $0x1082  }
0x22: {  	[simem:s7], [sflag:s8] =	dma.local @!p0 [hbm:s6], $0xF7A  }
0x23: {  	s9 =	sor.u32 $0xD0000000, s2;
	s6 =	simm.s32 $0x108;
	_ =	swait.ge @!p0 [sflag:s8], $0x0  }
0x24: {  	s3 =	sadd.s32 $0x88, s3;
	s6 =	simm.s32 @!p1 $0x1082;
	[sflag:s4] =	ssyncset.s32 $0xFFFFF086  }
0x25: {  	[simem:s6], [sflag:s4] =	dma.local [hbm:s3], $0xF7A  }
0x26: {  	[smem:$0x3F9F] =	sst s1;
	(tag) =	ssettag s2;
	_ =	strace s9  }
0x27: {  	s1 =	sld [smem:$0x3FAF]  }
0x28: {  	s2 =	sld [smem:$0x3FB0]  }
0x29: {  	s4 =	sld [smem:$0x3FB2]  }
0x2a: {  	p0 =	seq.s32 s5, $0x0;
	s5 =	sld [smem:$0x3FB3]  }
0x2b: {  	s6 =	sld [smem:$0x3FB4]  }
0x2c: {  	s7 =	sld [smem:$0x3FB5]  }
0x2d: {  	s3 =	simm.s32 $0x108;
	s8 =	sld [smem:$0x3FB6]  }
0x2e: {  	s3 =	simm.s32 @!p0 $0x1082;
	s9 =	sld [smem:$0x3FB7]  }
0x2f: {  	lr =	sadd.s32 s0, s3;
	s0 =	sld [smem:$0x3FAE]  }
0x30: {  	s3 =	sld [smem:$0x3FB1]  }
0x31: {  	[smem:$0x3FBA] =	sst s10  }
0x32: {  	s10 =	sld [smem:$0x3FB8];
	_ =	sdelay $0x3  }
0x33: {  	p0 =	seq.s32 s10, $0x1;
	s10 =	sld [smem:$0x3FBA];
	_ =	sdelay $0x3  }
0x34: {  	[smem:$0x3FBA] =	sst s10  }
0x35: {  	s10 =	sld [smem:$0x3FB9];
	_ =	sdelay $0x3  }
0x36: {  	p1 =	seq.s32 s10, $0x1;
	s10 =	sld [smem:$0x3FBA];
	_ =	sdelay $0x3  }
0x37: {  	[smem:$0x3FBA] =	sst s10  }
0x38: {  	s10 =	sld [smem:$0x3FBB]  }
0x39: {  	_ = 	snop;
	(pc) =	sbr.ind lr, $3  }
0x3a: {  	_ = 	snop  }
0x3b: {  	_ = 	snop  }
0x3c: {  	p2 =	seq.s32 s10, $0x1;
	s10 =	sld [smem:$0x3FBA]  }
0x3d: {  	_ =	shalt  }
0x3e: {  	_ =	shalt  }
0x3f: {  	_ =	shalt  }
0x40: {  	_ =	shalt  }
0x41: {  	_ =	shalt  }
0x42: {  	_ =	shalt  }
0x43: {  	_ =	shalt  }
0x44: {  	_ =	shalt  }
0x45: {  	_ =	shalt  }
0x46: {  	_ =	shalt  }
0x47: {  	_ =	shalt  }
0x48: {  	_ =	shalt  }
0x49: {  	_ =	shalt  }
0x4a: {  	_ =	shalt  }
0x4b: {  	_ =	shalt  }
0x4c: {  	_ =	shalt  }
0x4d: {  	_ =	shalt  }
0x4e: {  	_ =	shalt  }
0x4f: {  	_ =	shalt  }
0x50: {  	_ =	shalt  }
0x51: {  	_ =	shalt  }
0x52: {  	_ =	shalt  }
0x53: {  	_ =	shalt  }
0x54: {  	_ =	shalt  }
0x55: {  	_ =	shalt  }
0x56: {  	_ =	shalt  }
0x57: {  	_ =	shalt  }
0x58: {  	_ =	shalt  }
0x59: {  	_ =	shalt  }
0x5a: {  	_ =	shalt  }
0x5b: {  	_ =	shalt  }
0x5c: {  	_ =	shalt  }
0x5d: {  	_ =	shalt  }
0x5e: {  	_ =	shalt  }
0x5f: {  	_ =	shalt  }
0x60: {  	_ =	shalt  }
0x61: {  	_ =	shalt  }
0x62: {  	_ =	shalt  }
0x63: {  	_ =	shalt  }
0x64: {  	_ =	shalt  }
0x65: {  	_ =	shalt  }
0x66: {  	_ =	shalt  }
0x67: {  	_ =	shalt  }
0x68: {  	_ =	shalt  }
0x69: {  	_ =	shalt  }
0x6a: {  	_ =	shalt  }
0x6b: {  	_ =	shalt  }
0x6c: {  	_ =	shalt  }
0x6d: {  	_ =	shalt  }
0x6e: {  	_ =	shalt  }
0x6f: {  	_ =	shalt  }
0x70: {  	_ =	shalt  }
0x71: {  	_ =	shalt  }
0x72: {  	_ =	shalt  }
0x73: {  	_ =	shalt  }
0x74: {  	_ =	shalt  }
0x75: {  	_ =	shalt  }
0x76: {  	_ =	shalt  }
0x77: {  	_ =	shalt  }
0x78: {  	_ =	shalt  }
0x79: {  	_ =	shalt  }
0x7a: {  	_ =	shalt  }
0x7b: {  	_ =	shalt  }
0x7c: {  	_ =	shalt  }
0x7d: {  	_ =	shalt  }
0x7e: {  	_ =	shalt  }
0x7f: {  	_ =	shalt  }
0x80: {  	_ =	shalt  }
0x81: {  	_ =	shalt  }
0x82: {  	_ =	shalt  }
0x83: {  	_ =	shalt  }
0x84: {  	_ =	shalt  }
0x85: {  	_ =	shalt  }
0x86: {  	_ =	shalt  }
0x87: {  	_ =	shalt  }
.Lfunc_end0:
.L_simem_size_0:
called_computation_lowered:
.L_overlay_start_0:
0x88: {  	s2 =	sld [smem:$0x3FD9]  }
0x89: {  	s3 =	sld [smem:$0x3FFE];
	_ =	sdelay $0x1  }
0x8a: {  	s1 =	srdreg.scid  }
0x8b: {  	s0 =	sand.u32 $0x1, s1  }
0x8c: {  	s16 =	sshll.u32 s0, $0xA;
	s2 =	sadd.s32 s3, s2  }
0x8d: {  	s2 =	sadd.s32 s2, s16  }
0x8e: {  	[smem:$0x3FC6] =	sst s2  }
0x8f: {  	_ = 	snop  }
0x90: {  	(tm) =	ssettm $0x1  }
0x91: {  	s17 =	sld [smem:$0x3FFB];
	_ =	sdelay $0x3  }
0x92: {  	_ =	strace s17  }
0x93: {  	s2 =	sld [smem:$0x3FFC];
	_ =	sdelay $0x3  }
0x94: {  	_ =	strace s2  }
0x95: {  	s2 =	sld [smem:$0x3FFD];
	_ =	sdelay $0x3  }
0x96: {  	_ =	strace s2  }
0x97: {  	_ =	strace $0x8FFFFFFF  }
0x98: {  	s18 =	sld [smem:$0x3FDB];
	_ =	sdelay $0x1  }
0x99: {  	s19 =	simm.s32 $_scs_section_size  }
0x9a: {  	s4 =	simm.s32 $_size__tile_overlayer_lowered;
	s5 =	simm.s32 $_tile_overlayer_lowered  }
0x9b: {  	s22 =	simm.s32 $0x1BFF;
	s21 =	sshll.u32 s5, $0x1;
	s2 =	sadd.s32 s19, s18  }
0x9c: {  	s6 =	simm.s32 $0x0;
	s20 =	sshll.u32 s4, $0x1;
	s4 =	sadd.s32 s21, s2  }
0x9d: {  	[timem:s6], [sflag:s22] =	dma.local [hbm:s4], s20  }
0x9e: {  	_ =	swait.ge [sflag:s22], s20  }
0x9f: {  	s3 =	ssub.s32 $0x0, s20;
	[sflag:s22] =	ssyncset.done $0x0  }
0xa0: {  	[sflag:s22] =	ssyncadd.s32 s3;
	_ =	sdelay $0x1  }
0xa1: {  	s23 =	simm.s32 $0x1B8B  }
0xa2: {  	_ =	swait.ge [sflag:s23], $0x1  }
0xa3: {  	[sflag:s23] =	ssyncset.done $0x0  }
0xa4: {  	s25 =	simm.s32 $0x1B8E;
	s24 =	sld [smem:$0x3FFE];
	[sflag:s23] =	ssyncadd.s32 $0xFFFFFFFF  }
0xa5: {  	s26 =	simm.s32 $execute0_lowered;
	[smem:$0x3FD2] =	sst s25  }
0xa6: {  	s4 =	sshll.u32 s26, $0x1;
	_ =	strace $0x80000046;
	[dreg:$0x1] =	wrdreg $0xFFFFFFFF  }
0xa7: {  	s28 =	simm.s32 $_size_execute0_lowered;
	s2 =	sadd.s32 s2, s4;
	[dreg:$0x0] =	wrdreg $0x0  }
0xa8: {  	s4 =	sshll.u32 s28, $0x1;
	[dreg:$0x2] =	wrdreg s2  }
0xa9: {  	[dreg:$0x3] =	wrdreg s4  }
0xaa: {  	[dreg:$0x4] =	wrdreg $0xC0  }
0xab: {  	_ =	task [dreg:s6], $0x5FFFF  }
0xac: {  	[dreg:$0x1] =	wrdreg $0xFFFFFFFF  }
0xad: {  	[dreg:$0x0] =	wrdreg $0x60  }
0xae: {  	[dreg:$0x2] =	wrdreg s24  }
0xaf: {  	[dreg:$0x3] =	wrdreg $0x9  }
0xb0: {  	_ =	task.clear_ibuf [dreg:s6], $0x4FFFF;
	_ =	strace $0x90000046  }
0xb1: {  	s29 =	simm.s32 $0x9;
	_ =	strace $0x80000048  }
0xb2: {  	_ =	swait.ge [sflag:s29], $0x1  }
0xb3: {  	[sflag:s29] =	ssyncadd.s32 $0xFFFFFFFF  }
0xb4: {  	_ =	strace $0x90000048  }
0xb5: {  	_ =	sfence  }
0xb6: {  	s30 =	sld [smem:$0x0];
	_ =	sdelay $0x2  }
0xb7: {  	s31 =	sshll.u32 s1, $0xD;
	s1 =	sshrl.u32 s1, $0x2  }
0xb8: {  	s3 =	sand.u32 $0x4000, s31;
	s1 =	sadd.s32 s1, s30  }
0xb9: {  	s0 =	sor.u32 s3, s0;
	s1 =	sshll.u32 s1, $0x11  }
0xba: {  	s0 =	sor.u32 s1, s0  }
0xbb: {  	s0 =	sadd.s32 $0x8F2B, s0  }
0xbc: {  	[sflag:s0] =	ssyncadd.remote.s32 $0x1  }
0xbd: {  	_ =	sfence.sel $0xFFFF  }
0xbe: {  	[dreg:$0x0] =	wrdreg $0xFFFFFFFF;
	(pc) =	sbr.abs _section_cstart, $3  }
0xbf: {  	[dreg:$0x1] =	wrdreg $0xFFFFFFFF  }
0xc0: {  	_ =	task.clear_ibuf [dreg:s6], $0x2FFFF;
	_ =	strace $0x9FFFFFFF  }
0xc1: {  	(tm) =	ssettm $0x7FFFFFFF  }
tec
execute0_lowered:
.L_overlay_start_1:
0x0: {  	(tag) =	ssettag $0x1  }
0x1: {  	s3 =	rddreg [dreg:$0x0]  }
0x2: {  	s2 =	srdreg.scid;
	s0 =	rddreg [dreg:$0x1]  }
0x3: {  	s1 =	stileid.u32;
	s4 =	sand.u32 $0x1, s2;
	s2 =	simm.s32 $0x0  }
0x4: {  	s5 =	sshll.u32 s1, $0xC;
	s6 =	sshll.u32 s4, $0xB;
	s31 =	ssub.s32 $0x2, s4  }
0x5: {  	[smem:$0x7FF] =	sst s2;
	s5 =	sor.u32 s6, s5;
	s7 =	sshrl.u32 s31, $0x1  }
0x6: {  	_ =	strace $0x80000047;
	s5 =	sadd.s32 s5, s3;
	s6 =	ssub.s32 s31, s7  }
0x7: {  	s3 =	simm.s32 $0x1;
	s4 =	sadd.s32 $0x800, s5;
	s6 =	smax.u32 s6, $0x1  }
0x8: {  	[tilespmem:s2], [sflag:$0x1] =	stream.linear.gather [hbm4b:s4+s2], $0x4000, $0x38;
	[tilespmem:$0x4000] =	vst v63  }
0x9: {  	p0 =	sne.s32 s6, $0x1;
	_ =	swait.ge [sflag:s3], $0x4000  }
.Ltmp0:
0xa: {  	[sflag:s3] =	ssyncset.done $0x0;
	(pc) =	sbr.rel @!p0 .LBB2_2-.Ltmp0, $4  }
0xb: {  	s5 =	sadd.s32 $0x40800, s5;
	[sflag:s3] =	ssyncadd.s32 $0xFFFFC000  }
0xc: {  	[hbm4b:s5+s2] =	stream.linear.scatter [tilespmem:s2], [sflag:$0x1], $0x4000, $0x38;
	[tilespmem:$0x4000] =	vst v63  }
0xd: {  	_ =	swait.ge [sflag:s3], $0x4000  }
0xe: {  	s6 =	sadd.s32 $0xFFFFFFFF, s6;
	[sflag:s3] =	ssyncset.done $0x0  }
.LBB2_1:
0xf: {  	p0 =	sne.s32 s6, $0x1;
	s6 =	sadd.s32 $0xFFFFFFFF, s6;
	[sflag:s3] =	ssyncadd.s32 $0xFFFFC000  }
0x10: {  	[tilespmem:s2], [sflag:$0x1] =	stream.linear.gather [hbm4b:s4+s2], $0x4000, $0x38;
	[tilespmem:$0x4000] =	vst v63  }
0x11: {  	_ =	swait.ge [sflag:s3], $0x4000  }
.Ltmp1:
0x12: {  	[sflag:s3] =	ssyncset.done $0x0;
	(pc) =	sbr.rel @p0 .LBB2_1-.Ltmp1, $4  }
0x13: {  	[sflag:s3] =	ssyncadd.s32 $0xFFFFC000  }
0x14: {  	[hbm4b:s5+s2] =	stream.linear.scatter [tilespmem:s2], [sflag:$0x1], $0x4000, $0x38;
	[tilespmem:$0x4000] =	vst v63  }
0x15: {  	_ =	swait.ge [sflag:s3], $0x4000  }
0x16: {  	[sflag:s3] =	ssyncset.done $0x0  }
.LBB2_2:
0x17: {  	[sflag:s3] =	ssyncadd.s32 $0xFFFFC000  }
0x18: {  	_ =	sfence.sel $0x180000  }
0x19: {  	[bflag:$0x0] =	sbarrier.arrive $0xFFFF  }
0x1a: {  	p0 =	sne.s32 s1, $0x0;
	_ =	strace $0x90000047  }
0x1b: {  	s0 =	sadd.s32 @!p0 $0x100000, s0;
	[bflag:$0x2] =	sbarrier.arrive $0xFFFF  }
0x1c: {  	[sflag:s0] =	ssyncadd.tile.s32 @!p0 $0x1;
	_ =	shalt  }
.Lfunc_end2:
_tile_overlayer_lowered:
.L_overlay_start_2:
0x1d: {  	(tag) =	ssettag $0x2  }
0x1e: {  	s0 =	rddreg [dreg:$0x0];
	s2 =	stileid.u32  }
0x1f: {  	s1 =	rddreg [dreg:$0x1];
	p0 =	sne.s32 s2, $0x0  }
0x20: {  	s3 =	rddreg [dreg:$0x2];
	[bflag:$0x3] =	sbarrier.arrive $0xFFFF;
	s2 =	simm.s32 @!p0 $0x1C01  }
0x21: {  	[timem:s3], [sflag:s2] =	dma.local @!p0 [hbm:s0], s1  }
0x22: {  	s0 =	simm.s32 @!p0 $0x1  }
0x23: {  	_ =	swait.ge @!p0 [sflag:s0], s1  }
0x24: {  	s1 =	ssub.s32 @!p0 $0x0, s1;
	[sflag:s0] =	ssyncset.done @!p0 $0x0  }
0x25: {  	[sflag:s0] =	ssyncadd.s32 @!p0 s1  }
0x26: {  	[bflag:$0x3] =	sbarrier.arrive $0xFFFF  }
0x27: {  	_ =	shalt  }

</sc_bundles>
